<compile_context>
chip_gen: v7x
topology: tpu7x:2x2x1
jax: 0.10.2.dev20260603
libtpu: 0.0.44.dev20260713+nightly
codegen_flags: <defaults>
</compile_context>

<pallas_src>
import functools

import jax
import jax.numpy as jnp
from jax import lax
from jax.experimental import pallas as pl
from jax.experimental.pallas import tpu as pltpu
from jax.experimental.pallas import tpu_sc as plsc

_NC = 2
_NS = 16
_LANES = 16
_NW = _NC * _NS
_CHUNK = 128

_BLOCK_ROWS = 8000


def _sc_scatter(idx2d, zeros, n, k):
    z = n // _NS
    mesh = plsc.VectorSubcoreMesh(core_axis_name="c", subcore_axis_name="s")

    @functools.partial(
        pl.kernel,
        out_type=jax.ShapeDtypeStruct((_NC * n,), jnp.int32),
        mesh=mesh,
        scratch_types=[
            pltpu.VMEM((k, _CHUNK), jnp.int32),
            pltpu.VMEM((_CHUNK,), jnp.int32),
            pltpu.VMEM((z,), jnp.int32),
            pltpu.VMEM_SHARED((n,), jnp.int32),
        ],
    )
    def run(idx_hbm, zeros_hbm, out_hbm, idx_v, ones_v, bounce, acc):
        c = lax.axis_index("c")
        s = lax.axis_index("s")
        wid = c * _NS + s
        for j in range(_CHUNK // _LANES):
            ones_v[pl.ds(j * _LANES, _LANES)] = jnp.ones((_LANES,), jnp.int32)
        pltpu.sync_copy(zeros_hbm.at[pl.ds(s * z, z)], bounce)
        pltpu.sync_copy(bounce, acc.at[pl.ds(s * z, z)])
        pltpu.sync_copy(idx_hbm.at[pl.ds(wid * k, k), :], idx_v)
        plsc.subcore_barrier()

        def body(j, carry):
            pltpu.sync_copy(ones_v, acc.at[idx_v.at[j]], add=True)
            return carry

        lax.fori_loop(0, k, body, 0)
        plsc.subcore_barrier()
        pltpu.sync_copy(acc.at[pl.ds(s * z, z)], bounce)
        pltpu.sync_copy(bounce, out_hbm.at[pl.ds(c * n + s * z, z)])

    return run(idx2d, zeros)


def _tc_upsample(fea, wup, bup, wcls8, bcls8, ct8):
    n, d_in = fea.shape
    d_up = wup.shape[1]
    r = _BLOCK_ROWS

    def body(x_ref, wup_ref, bup_ref, wc_ref, bcls_ref, ct_ref,
             out_ref, side_ref):
        xb = x_ref[...].astype(jnp.bfloat16)
        up = jnp.dot(xb, wup_ref[...],
                     preferred_element_type=jnp.float32) + bup_ref[...]
        upb = up.astype(jnp.bfloat16)
        ex8 = jnp.dot(upb, wc_ref[...],
                      preferred_element_type=jnp.float32) + bcls_ref[...]
        t = ct_ref[...][:, 0:1] > 0
        keep = jnp.logical_or(ex8[:, 0:1] > 0.0, t)
        out_ref[...] = jnp.where(keep, up, 0.0)
        side_ref[...] = ex8

    return pl.pallas_call(
        body,
        grid=(n // r,),
        in_specs=[
            pl.BlockSpec((r, d_in), lambda i: (i, 0)),
            pl.BlockSpec((d_in, d_up), lambda i: (0, 0)),
            pl.BlockSpec((1, d_up), lambda i: (0, 0)),
            pl.BlockSpec((d_up, 8), lambda i: (0, 0)),
            pl.BlockSpec((1, 8), lambda i: (0, 0)),
            pl.BlockSpec((r, 8), lambda i: (i, 0)),
        ],
        out_specs=[
            pl.BlockSpec((r, d_up), lambda i: (i, 0)),
            pl.BlockSpec((r, 8), lambda i: (i, 0)),
        ],
        out_shape=[
            jax.ShapeDtypeStruct((n, d_up), jnp.float32),
            jax.ShapeDtypeStruct((n, 8), jnp.float32),
        ],
        compiler_params=pltpu.CompilerParams(
            vmem_limit_bytes=120 * 1024 * 1024),
    )(fea, wup, bup, wcls8, bcls8, ct8)


def kernel(fea, kernel_map_idx, W_up, b_up, W_cls, b_cls):
    n, d_in = fea.shape
    n2 = n // 2
    m = kernel_map_idx.shape[0]

    per_worker = _NW * _CHUNK
    k = -(-m // per_worker)
    k = -(-k // 8) * 8
    m_pad = k * per_worker
    idx = kernel_map_idx.astype(jnp.int32)
    idx_padded = jnp.concatenate(
        [idx, jnp.broadcast_to(idx[0], (m_pad - m,))])
    idx2d = idx_padded.reshape(m_pad // _CHUNK, _CHUNK)
    zeros = jnp.zeros((n,), jnp.int32)
    counts = _sc_scatter(idx2d, zeros, n, k)

    wcls8 = jnp.zeros((d_in, 8), jnp.float32).at[:, 0].set(W_cls[:, 0])
    bcls8 = jnp.zeros((1, 8), jnp.float32).at[0, 0].set(b_cls[0])
    tsum = counts[:n] + counts[n:]
    ct8 = jnp.stack([tsum] + [jnp.zeros((n,), jnp.int32)] * 7, axis=1)

    fea_out, side = _tc_upsample(
        fea,
        W_up.astype(jnp.bfloat16),
        b_up.reshape(1, -1),
        wcls8.astype(jnp.bfloat16),
        bcls8,
        ct8,
    )

    exist = side[:, 0:1]
    target = tsum > 0
    return (fea_out, exist, target)

# --- scband reference (transcript-rebuilt; emitter-appended) ---
"""Pipeline reference for scband-abstract-generative-upsample-63780264346313 (READ-ONLY COPY).

The authoritative reference and input builder live on the scoring server;
editing this copy changes nothing except your own understanding.
"""

import jax, jax.numpy as jnp
import numpy as np

N = 400000
D_IN = 64
D_UP = 64
M = 150000

def setup_inputs(seed: int = 0) -> dict:
    key = jax.random.key(seed)
    k1, k2, k3, k4 = jax.random.split(key, 4)
    fea = jax.random.normal(k1, (N, D_IN), dtype=jnp.float32)
    kernel_map_idx = jax.random.randint(k2, (M,), 0, N)
    W_up = jax.random.normal(k3, (D_IN, D_UP), dtype=jnp.float32) * 0.05
    b_up = jnp.zeros((D_UP,), dtype=jnp.float32)
    W_cls = jax.random.normal(k4, (D_UP, 1), dtype=jnp.float32) * 0.05
    b_cls = jnp.zeros((1,), dtype=jnp.float32)
    return {"fea": fea, "kernel_map_idx": kernel_map_idx, "W_up": W_up,
            "b_up": b_up, "W_cls": W_cls, "b_cls": b_cls}

def reference(fea, kernel_map_idx, W_up, b_up, W_cls, b_cls):
    # upsample_block: feature transform producing upsampled features
    fea_up = fea @ W_up + b_up
    # classify_block: 1-channel existence logits
    exist = fea_up @ W_cls + b_cls  # [N, 1]
    # keep = exist.F.squeeze() > 0 (computed under no_grad in torch)
    keep = exist[:, 0] > 0
    # kernel_map scatter: target[curr_in] = 1 (scatter-overwrite of bools)
    target = jnp.zeros((fea.shape[0],), dtype=jnp.bool_).at[kernel_map_idx].set(True)
    # keep |= target
    keep = jnp.logical_or(keep, target)
    # pruning(fea, keep): row-masking (rows failing keep are zeroed; in
    # MinkowskiEngine they are dropped, which is a dynamic-shape gather)
    fea_out = jnp.where(keep[:, None], fea_up, 0.0)
    exist_out = exist
    return (fea_out, exist_out, target)

if __name__ == "__main__":
    import jax
    _d = setup_inputs()
    print(jax.jit(kernel)(*tuple(_d.values())))

</pallas_src>

<mosaic_0001>
#map = affine_map<(d0, d1) -> (0, 0)>
#map1 = affine_map<(d0, d1) -> (0)>
module attributes {stable_mosaic.version = 14 : i64} {
  func.func @run(%arg0: i32, %arg1: i32, %arg2: memref<1280x128xi32, #tpu.memory_space<hbm>>, %arg3: memref<400000xi32, #tpu.memory_space<hbm>>, %arg4: memref<800000xi32, #tpu.memory_space<hbm>>, %arg5: memref<40x128xi32, #tpu.memory_space<vmem>>, %arg6: memref<128xi32, #tpu.memory_space<vmem>>, %arg7: memref<25000xi32, #tpu.memory_space<vmem>>, %arg8: memref<400000xi32, #tpu.memory_space<vmem_shared>>) attributes {dimension_semantics = [#tpu.dimension_semantics<core_parallel>, #tpu.dimension_semantics<subcore_parallel>], iteration_bounds = array<i64: 2, 16>, scalar_prefetch = 0 : i64, scratch_operands = 4 : i64, tpu.core_type = #tpu.core_type<sc_vector_subcore>, window_params = [{transform_indices = #map}, {transform_indices = #map1}, {transform_indices = #map1}]} {
    %mul3A = arith.constant 16 : i32
    %mul3A_0 = arith.muli %arg0, %mul3A : i32
    %add3A = arith.addi %mul3A_0, %arg1 : i32
    %broadcast_in_dim3A = arith.constant 1 : i32
    %broadcast_in_dim3A_1 = vector.broadcast %broadcast_in_dim3A : i32 to vector<16xi32>
    %swap3A = arith.constant 0 : index
    %swap3A_2 = tpu.vector_load %arg6[%swap3A] {strides = array<i32>} : memref<128xi32, #tpu.memory_space<vmem>>, vector<16xi32>,
    %swap3A_3 = vector.shape_cast %swap3A_2 : vector<16xi32> to vector<16xi32>
    %swap3A_4 = vector.shape_cast %broadcast_in_dim3A_1 : vector<16xi32> to vector<16xi32>
    tpu.vector_store %arg6[%swap3A], %swap3A_4 {strides = array<i32>} : memref<128xi32, #tpu.memory_space<vmem>>, vector<16xi32>,
    %broadcast_in_dim3A_5 = arith.constant 1 : i32
    %broadcast_in_dim3A_6 = vector.broadcast %broadcast_in_dim3A_5 : i32 to vector<16xi32>
    %swap3A_7 = arith.constant 16 : index
    %swap3A_8 = tpu.vector_load %arg6[%swap3A_7] {strides = array<i32>} : memref<128xi32, #tpu.memory_space<vmem>>, vector<16xi32>,
    %swap3A_9 = vector.shape_cast %swap3A_8 : vector<16xi32> to vector<16xi32>
    %swap3A_10 = vector.shape_cast %broadcast_in_dim3A_6 : vector<16xi32> to vector<16xi32>
    tpu.vector_store %arg6[%swap3A_7], %swap3A_10 {strides = array<i32>} : memref<128xi32, #tpu.memory_space<vmem>>, vector<16xi32>,
    %broadcast_in_dim3A_11 = arith.constant 1 : i32
    %broadcast_in_dim3A_12 = vector.broadcast %broadcast_in_dim3A_11 : i32 to vector<16xi32>
    %swap3A_13 = arith.constant 32 : index
    %swap3A_14 = tpu.vector_load %arg6[%swap3A_13] {strides = array<i32>} : memref<128xi32, #tpu.memory_space<vmem>>, vector<16xi32>,
    %swap3A_15 = vector.shape_cast %swap3A_14 : vector<16xi32> to vector<16xi32>
    %swap3A_16 = vector.shape_cast %broadcast_in_dim3A_12 : vector<16xi32> to vector<16xi32>
    tpu.vector_store %arg6[%swap3A_13], %swap3A_16 {strides = array<i32>} : memref<128xi32, #tpu.memory_space<vmem>>, vector<16xi32>,
    %broadcast_in_dim3A_17 = arith.constant 1 : i32
    %broadcast_in_dim3A_18 = vector.broadcast %broadcast_in_dim3A_17 : i32 to vector<16xi32>
    %swap3A_19 = arith.constant 48 : index
    %swap3A_20 = tpu.vector_load %arg6[%swap3A_19] {strides = array<i32>} : memref<128xi32, #tpu.memory_space<vmem>>, vector<16xi32>,
    %swap3A_21 = vector.shape_cast %swap3A_20 : vector<16xi32> to vector<16xi32>
    %swap3A_22 = vector.shape_cast %broadcast_in_dim3A_18 : vector<16xi32> to vector<16xi32>
    tpu.vector_store %arg6[%swap3A_19], %swap3A_22 {strides = array<i32>} : memref<128xi32, #tpu.memory_space<vmem>>, vector<16xi32>,
    %broadcast_in_dim3A_23 = arith.constant 1 : i32
    %broadcast_in_dim3A_24 = vector.broadcast %broadcast_in_dim3A_23 : i32 to vector<16xi32>
    %swap3A_25 = arith.constant 64 : index
    %swap3A_26 = tpu.vector_load %arg6[%swap3A_25] {strides = array<i32>} : memref<128xi32, #tpu.memory_space<vmem>>, vector<16xi32>,
    %swap3A_27 = vector.shape_cast %swap3A_26 : vector<16xi32> to vector<16xi32>
    %swap3A_28 = vector.shape_cast %broadcast_in_dim3A_24 : vector<16xi32> to vector<16xi32>
    tpu.vector_store %arg6[%swap3A_25], %swap3A_28 {strides = array<i32>} : memref<128xi32, #tpu.memory_space<vmem>>, vector<16xi32>,
    %broadcast_in_dim3A_29 = arith.constant 1 : i32
    %broadcast_in_dim3A_30 = vector.broadcast %broadcast_in_dim3A_29 : i32 to vector<16xi32>
    %swap3A_31 = arith.constant 80 : index
    %swap3A_32 = tpu.vector_load %arg6[%swap3A_31] {strides = array<i32>} : memref<128xi32, #tpu.memory_space<vmem>>, vector<16xi32>,
    %swap3A_33 = vector.shape_cast %swap3A_32 : vector<16xi32> to vector<16xi32>
    %swap3A_34 = vector.shape_cast %broadcast_in_dim3A_30 : vector<16xi32> to vector<16xi32>
    tpu.vector_store %arg6[%swap3A_31], %swap3A_34 {strides = array<i32>} : memref<128xi32, #tpu.memory_space<vmem>>, vector<16xi32>,
    %broadcast_in_dim3A_35 = arith.constant 1 : i32
    %broadcast_in_dim3A_36 = vector.broadcast %broadcast_in_dim3A_35 : i32 to vector<16xi32>
    %swap3A_37 = arith.constant 96 : index
    %swap3A_38 = tpu.vector_load %arg6[%swap3A_37] {strides = array<i32>} : memref<128xi32, #tpu.memory_space<vmem>>, vector<16xi32>,
    %swap3A_39 = vector.shape_cast %swap3A_38 : vector<16xi32> to vector<16xi32>
    %swap3A_40 = vector.shape_cast %broadcast_in_dim3A_36 : vector<16xi32> to vector<16xi32>
    tpu.vector_store %arg6[%swap3A_37], %swap3A_40 {strides = array<i32>} : memref<128xi32, #tpu.memory_space<vmem>>, vector<16xi32>,
    %broadcast_in_dim3A_41 = arith.constant 1 : i32
    %broadcast_in_dim3A_42 = vector.broadcast %broadcast_in_dim3A_41 : i32 to vector<16xi32>
    %swap3A_43 = arith.constant 112 : index
    %swap3A_44 = tpu.vector_load %arg6[%swap3A_43] {strides = array<i32>} : memref<128xi32, #tpu.memory_space<vmem>>, vector<16xi32>,
    %swap3A_45 = vector.shape_cast %swap3A_44 : vector<16xi32> to vector<16xi32>
    %swap3A_46 = vector.shape_cast %broadcast_in_dim3A_42 : vector<16xi32> to vector<16xi32>
    tpu.vector_store %arg6[%swap3A_43], %swap3A_46 {strides = array<i32>} : memref<128xi32, #tpu.memory_space<vmem>>, vector<16xi32>,
    %mul3A_47 = arith.constant 25000 : i32
    %mul3A_48 = arith.muli %arg1, %mul3A_47 : i32
    "tpu.region"() ({
      %run_scoped3A = tpu.sem_alloc : memref<!tpu.dma_semaphore, #tpu.memory_space<semaphore_mem>>
      %dma_start3A = tpu.memref_slice %arg3[%mul3A_48] : memref<400000xi32, #tpu.memory_space<hbm>> -> memref<25000xi32, #tpu.memory_space<hbm>>
      %dma_start3A_66 = tpu.memref_slice %arg3[%mul3A_48] : memref<400000xi32, #tpu.memory_space<hbm>> -> memref<25000xi32, #tpu.memory_space<hbm>>
      tpu.enqueue_dma source(%dma_start3A_66 : memref<25000xi32, #tpu.memory_space<hbm>>) target(%arg7 : memref<25000xi32, #tpu.memory_space<vmem>>) target_semaphore(%run_scoped3A : memref<!tpu.dma_semaphore, #tpu.memory_space<semaphore_mem>>)
      %dma_wait3A = tpu.memref_slice %arg3[%mul3A_48] : memref<400000xi32, #tpu.memory_space<hbm>> -> memref<25000xi32, #tpu.memory_space<hbm>>
      %dma_wait3A_67 = tpu.memref_slice %arg3[%mul3A_48] : memref<400000xi32, #tpu.memory_space<hbm>> -> memref<25000xi32, #tpu.memory_space<hbm>>
      tpu.wait_dma2 semaphore(%run_scoped3A : memref<!tpu.dma_semaphore, #tpu.memory_space<semaphore_mem>>) src(%dma_wait3A_67 : memref<25000xi32, #tpu.memory_space<hbm>>) dst(%arg7 : memref<25000xi32, #tpu.memory_space<vmem>>)
      tpu.yield
    }) : () -> ()
    %mul3A_49 = arith.constant 25000 : i32
    %mul3A_50 = arith.muli %arg1, %mul3A_49 : i32
    "tpu.region"() ({
      %run_scoped3A = tpu.sem_alloc : memref<!tpu.dma_semaphore, #tpu.memory_space<semaphore_mem>>
      %dma_start3A = tpu.memref_slice %arg8[%mul3A_50] : memref<400000xi32, #tpu.memory_space<vmem_shared>> -> memref<25000xi32, #tpu.memory_space<vmem_shared>>
      %dma_start3A_66 = tpu.memref_slice %arg8[%mul3A_50] : memref<400000xi32, #tpu.memory_space<vmem_shared>> -> memref<25000xi32, #tpu.memory_space<vmem_shared>>
      tpu.enqueue_dma source(%arg7 : memref<25000xi32, #tpu.memory_space<vmem>>) target(%dma_start3A_66 : memref<25000xi32, #tpu.memory_space<vmem_shared>>) target_semaphore(%run_scoped3A : memref<!tpu.dma_semaphore, #tpu.memory_space<semaphore_mem>>)
      %dma_wait3A = tpu.memref_slice %arg8[%mul3A_50] : memref<400000xi32, #tpu.memory_space<vmem_shared>> -> memref<25000xi32, #tpu.memory_space<vmem_shared>>
      %dma_wait3A_67 = tpu.memref_slice %arg8[%mul3A_50] : memref<400000xi32, #tpu.memory_space<vmem_shared>> -> memref<25000xi32, #tpu.memory_space<vmem_shared>>
      tpu.wait_dma2 semaphore(%run_scoped3A : memref<!tpu.dma_semaphore, #tpu.memory_space<semaphore_mem>>) src(%arg7 : memref<25000xi32, #tpu.memory_space<vmem>>) dst(%dma_wait3A_67 : memref<25000xi32, #tpu.memory_space<vmem_shared>>)
      tpu.yield
    }) : () -> ()
    %mul3A_51 = arith.constant 40 : i32
    %mul3A_52 = arith.muli %add3A, %mul3A_51 : i32
    "tpu.region"() ({
      %run_scoped3A = tpu.sem_alloc : memref<!tpu.dma_semaphore, #tpu.memory_space<semaphore_mem>>
      %dma_start3A = arith.constant 0 : i32
      %dma_start3A_66 = tpu.memref_slice %arg2[%mul3A_52, %dma_start3A] : memref<1280x128xi32, #tpu.memory_space<hbm>> -> memref<40x128xi32, #tpu.memory_space<hbm>>
      %dma_start3A_67 = arith.constant 0 : i32
      %dma_start3A_68 = tpu.memref_slice %arg2[%mul3A_52, %dma_start3A_67] : memref<1280x128xi32, #tpu.memory_space<hbm>> -> memref<40x128xi32, #tpu.memory_space<hbm>>
      tpu.enqueue_dma source(%dma_start3A_68 : memref<40x128xi32, #tpu.memory_space<hbm>>) target(%arg5 : memref<40x128xi32, #tpu.memory_space<vmem>>) target_semaphore(%run_scoped3A : memref<!tpu.dma_semaphore, #tpu.memory_space<semaphore_mem>>)
      %dma_wait3A = arith.constant 0 : i32
      %dma_wait3A_69 = tpu.memref_slice %arg2[%mul3A_52, %dma_wait3A] : memref<1280x128xi32, #tpu.memory_space<hbm>> -> memref<40x128xi32, #tpu.memory_space<hbm>>
      %dma_wait3A_70 = arith.constant 0 : i32
      %dma_wait3A_71 = tpu.memref_slice %arg2[%mul3A_52, %dma_wait3A_70] : memref<1280x128xi32, #tpu.memory_space<hbm>> -> memref<40x128xi32, #tpu.memory_space<hbm>>
      tpu.wait_dma2 semaphore(%run_scoped3A : memref<!tpu.dma_semaphore, #tpu.memory_space<semaphore_mem>>) src(%dma_wait3A_71 : memref<40x128xi32, #tpu.memory_space<hbm>>) dst(%arg5 : memref<40x128xi32, #tpu.memory_space<vmem>>)
      tpu.yield
    }) : () -> ()
    %barrier3A = arith.constant 0 : index
    tpu.barrier barrier_id(%barrier3A)
    %scan3A = arith.constant 0 : i32
    %scan3A_53 = arith.constant 0 : i32
    %scan3A_54 = arith.constant 40 : i32
    %scan3A_55 = arith.addi %scan3A_53, %scan3A_54 : i32
    %scan3A_56 = arith.constant 1 : i32
    scf.for %scan3A_66 = %scan3A_53 to %scan3A_55 step %scan3A_56  : i32 {
      "tpu.region"() ({
        %run_scoped3A = tpu.sem_alloc : memref<!tpu.dma_semaphore, #tpu.memory_space<semaphore_mem>>
        %dma_start3A = arith.constant 0 : i32
        %dma_start3A_67 = tpu.memref_slice %arg5[%scan3A_66, %dma_start3A] : memref<40x128xi32, #tpu.memory_space<vmem>> -> memref<1x128xi32, #tpu.memory_space<vmem>>
        %dma_start3A_68 = tpu.memref_squeeze %dma_start3A_67 : memref<1x128xi32, #tpu.memory_space<vmem>> -> memref<128xi32, #tpu.memory_space<vmem>>
        %dma_start3A_69 = arith.constant 0 : i32
        %dma_start3A_70 = tpu.memref_slice %arg8[%dma_start3A_69] : memref<400000xi32, #tpu.memory_space<vmem_shared>> -> memref<400000xi32, #tpu.memory_space<vmem_shared>>
        tpu.enqueue_indirect_dma source(%arg6 : memref<128xi32, #tpu.memory_space<vmem>>) target(%dma_start3A_70 : memref<400000xi32, #tpu.memory_space<vmem_shared>>) offsets(%dma_start3A_68 : memref<128xi32, #tpu.memory_space<vmem>>) semaphore(%run_scoped3A : memref<!tpu.dma_semaphore, #tpu.memory_space<semaphore_mem>>) {add = true}
        %dma_wait3A = arith.constant 0 : i32
        %dma_wait3A_71 = tpu.memref_slice %arg5[%scan3A_66, %dma_wait3A] : memref<40x128xi32, #tpu.memory_space<vmem>> -> memref<1x128xi32, #tpu.memory_space<vmem>>
        %dma_wait3A_72 = tpu.memref_squeeze %dma_wait3A_71 : memref<1x128xi32, #tpu.memory_space<vmem>> -> memref<128xi32, #tpu.memory_space<vmem>>
        %dma_wait3A_73 = arith.constant 0 : i32
        %dma_wait3A_74 = tpu.memref_slice %arg8[%dma_wait3A_73] : memref<400000xi32, #tpu.memory_space<vmem_shared>> -> memref<400000xi32, #tpu.memory_space<vmem_shared>>
        tpu.wait_indirect_dma semaphore(%run_scoped3A : memref<!tpu.dma_semaphore, #tpu.memory_space<semaphore_mem>>) src(%arg6 : memref<128xi32, #tpu.memory_space<vmem>>) dst(%dma_wait3A_74 : memref<400000xi32, #tpu.memory_space<vmem_shared>>)
        tpu.yield
      }) : () -> ()
    }
    %scan3A_57 = arith.constant 40 : i32
    %barrier3A_58 = arith.constant 0 : index
    tpu.barrier barrier_id(%barrier3A_58)
    %mul3A_59 = arith.constant 25000 : i32
    %mul3A_60 = arith.muli %arg1, %mul3A_59 : i32
    "tpu.region"() ({
      %run_scoped3A = tpu.sem_alloc : memref<!tpu.dma_semaphore, #tpu.memory_space<semaphore_mem>>
      %dma_start3A = tpu.memref_slice %arg8[%mul3A_60] : memref<400000xi32, #tpu.memory_space<vmem_shared>> -> memref<25000xi32, #tpu.memory_space<vmem_shared>>
      %dma_start3A_66 = tpu.memref_slice %arg8[%mul3A_60] : memref<400000xi32, #tpu.memory_space<vmem_shared>> -> memref<25000xi32, #tpu.memory_space<vmem_shared>>
      tpu.enqueue_dma source(%dma_start3A_66 : memref<25000xi32, #tpu.memory_space<vmem_shared>>) target(%arg7 : memref<25000xi32, #tpu.memory_space<vmem>>) target_semaphore(%run_scoped3A : memref<!tpu.dma_semaphore, #tpu.memory_space<semaphore_mem>>)
      %dma_wait3A = tpu.memref_slice %arg8[%mul3A_60] : memref<400000xi32, #tpu.memory_space<vmem_shared>> -> memref<25000xi32, #tpu.memory_space<vmem_shared>>
      %dma_wait3A_67 = tpu.memref_slice %arg8[%mul3A_60] : memref<400000xi32, #tpu.memory_space<vmem_shared>> -> memref<25000xi32, #tpu.memory_space<vmem_shared>>
      tpu.wait_dma2 semaphore(%run_scoped3A : memref<!tpu.dma_semaphore, #tpu.memory_space<semaphore_mem>>) src(%dma_wait3A_67 : memref<25000xi32, #tpu.memory_space<vmem_shared>>) dst(%arg7 : memref<25000xi32, #tpu.memory_space<vmem>>)
      tpu.yield
    }) : () -> ()
    %mul3A_61 = arith.constant 400000 : i32
    %mul3A_62 = arith.muli %arg0, %mul3A_61 : i32
    %mul3A_63 = arith.constant 25000 : i32
    %mul3A_64 = arith.muli %arg1, %mul3A_63 : i32
    %add3A_65 = arith.addi %mul3A_62, %mul3A_64 : i32
    "tpu.region"() ({
      %run_scoped3A = tpu.sem_alloc : memref<!tpu.dma_semaphore, #tpu.memory_space<semaphore_mem>>
      %dma_start3A = tpu.memref_slice %arg4[%add3A_65] : memref<800000xi32, #tpu.memory_space<hbm>> -> memref<25000xi32, #tpu.memory_space<hbm>>
      %dma_start3A_66 = tpu.memref_slice %arg4[%add3A_65] : memref<800000xi32, #tpu.memory_space<hbm>> -> memref<25000xi32, #tpu.memory_space<hbm>>
      tpu.enqueue_dma source(%arg7 : memref<25000xi32, #tpu.memory_space<vmem>>) target(%dma_start3A_66 : memref<25000xi32, #tpu.memory_space<hbm>>) target_semaphore(%run_scoped3A : memref<!tpu.dma_semaphore, #tpu.memory_space<semaphore_mem>>)
      %dma_wait3A = tpu.memref_slice %arg4[%add3A_65] : memref<800000xi32, #tpu.memory_space<hbm>> -> memref<25000xi32, #tpu.memory_space<hbm>>
      %dma_wait3A_67 = tpu.memref_slice %arg4[%add3A_65] : memref<800000xi32, #tpu.memory_space<hbm>> -> memref<25000xi32, #tpu.memory_space<hbm>>
      tpu.wait_dma2 semaphore(%run_scoped3A : memref<!tpu.dma_semaphore, #tpu.memory_space<semaphore_mem>>) src(%arg7 : memref<25000xi32, #tpu.memory_space<vmem>>) dst(%dma_wait3A_67 : memref<25000xi32, #tpu.memory_space<hbm>>)
      tpu.yield
    }) : () -> ()
    return
  }
}

module attributes {stable_mosaic.version = 14 : i64} {
  func.func @body(%arg0: i32, %arg1: memref<8000x64xf32, #tpu.memory_space<vmem>>, %arg2: memref<64x64xbf16, #tpu.memory_space<vmem>>, %arg3: memref<1x64xf32, #tpu.memory_space<vmem>>, %arg4: memref<64x8xbf16, #tpu.memory_space<vmem>>, %arg5: memref<1x8xf32, #tpu.memory_space<vmem>>, %arg6: memref<8000x8xi32, #tpu.memory_space<vmem>>, %arg7: memref<8000x64xf32, #tpu.memory_space<vmem>>, %arg8: memref<8000x8xf32, #tpu.memory_space<vmem>>) attributes {dimension_semantics = [#tpu.dimension_semantics<arbitrary>], iteration_bounds = array<i64: 50>, scalar_prefetch = 0 : i64, scratch_operands = 0 : i64, tpu.core_type = #tpu.core_type<tc>, window_params = [{transform_indices = @transform_0, window_bounds = array<i64: 8000, 64>}, {pipeline_mode = #tpu.pipeline_mode<synchronous>, transform_indices = @transform_1, window_bounds = array<i64: 64, 64>}, {pipeline_mode = #tpu.pipeline_mode<synchronous>, transform_indices = @transform_2, window_bounds = array<i64: 1, 64>}, {pipeline_mode = #tpu.pipeline_mode<synchronous>, transform_indices = @transform_3, window_bounds = array<i64: 64, 8>}, {pipeline_mode = #tpu.pipeline_mode<synchronous>, transform_indices = @transform_4, window_bounds = array<i64: 1, 8>}, {transform_indices = @transform_5, window_bounds = array<i64: 8000, 8>}, {transform_indices = @transform_6, window_bounds = array<i64: 8000, 64>}, {transform_indices = @transform_7, window_bounds = array<i64: 8000, 8>}]} {
    %get3A = arith.constant 0 : index
    %get3A_0 = arith.constant 0 : index
    %get3A_1 = vector.load %arg1[%get3A, %get3A_0] : memref<8000x64xf32, #tpu.memory_space<vmem>>, vector<8000x64xf32>
    %convert_element_type3A = arith.truncf %get3A_1 : vector<8000x64xf32> to vector<8000x64xbf16>
    %get3A_2 = arith.constant 0 : index
    %get3A_3 = arith.constant 0 : index
    %get3A_4 = vector.load %arg2[%get3A_2, %get3A_3] : memref<64x64xbf16, #tpu.memory_space<vmem>>, vector<64x64xbf16>
    %dot_general3A = arith.constant dense<0.000000e+00> : vector<8000x64xf32>
    %dot_general3A_5 = tpu.matmul %convert_element_type3A, %get3A_4, %dot_general3A {dimension_numbers = #tpu.dot_dimension_numbers<[1], [0], [0], [1], [0, 0, 1, 1], [], []>, transpose_lhs_hint = false} : vector<8000x64xbf16>, vector<64x64xbf16>, vector<8000x64xf32> -> vector<8000x64xf32>
    %get3A_6 = arith.constant 0 : index
    %get3A_7 = arith.constant 0 : index
    %get3A_8 = vector.load %arg3[%get3A_6, %get3A_7] : memref<1x64xf32, #tpu.memory_space<vmem>>, vector<1x64xf32>
    %add3A = vector.broadcast %get3A_8 : vector<1x64xf32> to vector<8000x64xf32>
    %add3A_9 = arith.addf %dot_general3A_5, %add3A : vector<8000x64xf32>
    %convert_element_type3A_10 = arith.truncf %add3A_9 : vector<8000x64xf32> to vector<8000x64xbf16>
    %get3A_11 = arith.constant 0 : index
    %get3A_12 = arith.constant 0 : index
    %get3A_13 = vector.load %arg4[%get3A_11, %get3A_12] : memref<64x8xbf16, #tpu.memory_space<vmem>>, vector<64x8xbf16>
    %dot_general3A_14 = arith.constant dense<0.000000e+00> : vector<8000x8xf32>
    %dot_general3A_15 = tpu.matmul %convert_element_type3A_10, %get3A_13, %dot_general3A_14 {dimension_numbers = #tpu.dot_dimension_numbers<[1], [0], [0], [1], [0, 0, 1, 1], [], []>, transpose_lhs_hint = false} : vector<8000x64xbf16>, vector<64x8xbf16>, vector<8000x8xf32> -> vector<8000x8xf32>
    %get3A_16 = arith.constant 0 : index
    %get3A_17 = arith.constant 0 : index
    %get3A_18 = vector.load %arg5[%get3A_16, %get3A_17] : memref<1x8xf32, #tpu.memory_space<vmem>>, vector<1x8xf32>
    %add3A_19 = vector.broadcast %get3A_18 : vector<1x8xf32> to vector<8000x8xf32>
    %add3A_20 = arith.addf %dot_general3A_15, %add3A_19 : vector<8000x8xf32>
    %get3A_21 = arith.constant 0 : index
    %get3A_22 = arith.constant 0 : index
    %get3A_23 = vector.load %arg6[%get3A_21, %get3A_22] : memref<8000x8xi32, #tpu.memory_space<vmem>>, vector<8000x8xi32>
    %slice3A = vector.extract_strided_slice %get3A_23 {offsets = [0, 0], sizes = [8000, 1], strides = [1, 1]} : vector<8000x8xi32> to vector<8000x1xi32>
    %gt3A = arith.constant 0 : i32
    %gt3A_24 = vector.broadcast %gt3A : i32 to vector<8000x1xi32>
    %gt3A_25 = arith.cmpi sgt, %slice3A, %gt3A_24 : vector<8000x1xi32>
    %slice3A_26 = vector.extract_strided_slice %add3A_20 {offsets = [0, 0], sizes = [8000, 1], strides = [1, 1]} : vector<8000x8xf32> to vector<8000x1xf32>
    %gt3A_27 = arith.constant 0.000000e+00 : f32
    %gt3A_28 = vector.broadcast %gt3A_27 : f32 to vector<8000x1xf32>
    %gt3A_29 = arith.cmpf ogt, %slice3A_26, %gt3A_28 : vector<8000x1xf32>
    %or3A = arith.ori %gt3A_29, %gt3A_25 : vector<8000x1xi1>
    %jit3A = arith.constant 0.000000e+00 : f32
    %broadcast_in_dim3A = vector.shape_cast %or3A : vector<8000x1xi1> to vector<8000x1xi1>
    %broadcast_in_dim3A_30 = vector.broadcast %broadcast_in_dim3A : vector<8000x1xi1> to vector<8000x64xi1>
    %broadcast_in_dim3A_31 = vector.broadcast %jit3A : f32 to vector<8000x64xf32>
    %select_n3A = arith.select %broadcast_in_dim3A_30, %add3A_9, %broadcast_in_dim3A_31 : vector<8000x64xi1>, vector<8000x64xf32>
    %swap3A = arith.constant 0 : index
    %swap3A_32 = arith.constant 0 : index
    %swap3A_33 = vector.load %arg7[%swap3A, %swap3A_32] : memref<8000x64xf32, #tpu.memory_space<vmem>>, vector<8000x64xf32>
    tpu.vector_store %arg7[%swap3A, %swap3A_32], %select_n3A {strides = array<i32>} : memref<8000x64xf32, #tpu.memory_space<vmem>>, vector<8000x64xf32>,
    %swap3A_34 = arith.constant 0 : index
    %swap3A_35 = arith.constant 0 : index
    %swap3A_36 = vector.load %arg8[%swap3A_34, %swap3A_35] : memref<8000x8xf32, #tpu.memory_space<vmem>>, vector<8000x8xf32>
    tpu.vector_store %arg8[%swap3A_34, %swap3A_35], %add3A_20 {strides = array<i32>} : memref<8000x8xf32, #tpu.memory_space<vmem>>, vector<8000x8xf32>,
    return
  }
  func.func @transform_0(%arg0: i32) -> (i32, i32) {
    %c0_i32 = arith.constant 0 : i32
    %c0_i32_0 = arith.constant 0 : i32
    return %arg0, %c0_i32 : i32, i32
  }
  func.func @transform_1(%arg0: i32) -> (i32, i32) {
    %c0_i32 = arith.constant 0 : i32
    %c0_i32_0 = arith.constant 0 : i32
    %c0_i32_1 = arith.constant 0 : i32
    return %c0_i32, %c0_i32_0 : i32, i32
  }
  func.func @transform_2(%arg0: i32) -> (i32, i32) {
    %c0_i32 = arith.constant 0 : i32
    %c0_i32_0 = arith.constant 0 : i32
    %c0_i32_1 = arith.constant 0 : i32
    return %c0_i32, %c0_i32_0 : i32, i32
  }
  func.func @transform_3(%arg0: i32) -> (i32, i32) {
    %c0_i32 = arith.constant 0 : i32
    %c0_i32_0 = arith.constant 0 : i32
    %c0_i32_1 = arith.constant 0 : i32
    return %c0_i32, %c0_i32_0 : i32, i32
  }
  func.func @transform_4(%arg0: i32) -> (i32, i32) {
    %c0_i32 = arith.constant 0 : i32
    %c0_i32_0 = arith.constant 0 : i32
    %c0_i32_1 = arith.constant 0 : i32
    return %c0_i32, %c0_i32_0 : i32, i32
  }
  func.func @transform_5(%arg0: i32) -> (i32, i32) {
    %c0_i32 = arith.constant 0 : i32
    %c0_i32_0 = arith.constant 0 : i32
    return %arg0, %c0_i32 : i32, i32
  }
  func.func @transform_6(%arg0: i32) -> (i32, i32) {
    %c0_i32 = arith.constant 0 : i32
    %c0_i32_0 = arith.constant 0 : i32
    return %arg0, %c0_i32 : i32, i32
  }
  func.func @transform_7(%arg0: i32) -> (i32, i32) {
    %c0_i32 = arith.constant 0 : i32
    %c0_i32_0 = arith.constant 0 : i32
    return %arg0, %c0_i32 : i32, i32
  }
}

</mosaic_0001>

<sc_bundles>
// kernel: kernel.4.cloned.1.call-start
scs
__scs_entry_jumppad:
0x0: {  	(pc) =	sbr.rel $0x88, $3  }
0x1: {  	(tag) =	ssettag $0x0;
	lr =	simm.s32 $0x1  }
0x2: {  	[smem:$0x3F9B] =	sst lr;
	_ =	strace $0xD0000000  }
0x3: {  	_ = 	snop  }
0x4: {  	_ = 	snop  }
0x5: {  	_ = 	snop  }
0x6: {  	_ = 	snop  }
0x7: {  	_ = 	snop  }
__scs_overlays_trampoline_lowered:
0x8: {  	[smem:$0x3FAA] =	sst s0  }
0x9: {  	[smem:$0x3FAB] =	sst s1  }
0xa: {  	[smem:$0x3FAC] =	sst s2  }
0xb: {  	[smem:$0x3FAD] =	sst s3  }
0xc: {  	[smem:$0x3FAE] =	sst s4  }
0xd: {  	[smem:$0x3FAF] =	sst s5  }
0xe: {  	[smem:$0x3FB0] =	sst s6  }
0xf: {  	[smem:$0x3FB1] =	sst s7  }
0x10: {  	[smem:$0x3FB2] =	sst s8  }
0x11: {  	[smem:$0x3FB3] =	sst s9;
	s0 =	simm.s32 @!p0 $0x0  }
0x12: {  	s1 =	sld [smem:$0x3F99];
	s0 =	simm.s32 @p0 $0x1  }
0x13: {  	[smem:$0x3FB4] =	sst s0;
	s0 =	simm.s32 @!p1 $0x0  }
0x14: {  	s2 =	sld [smem:$0x3F98];
	s0 =	simm.s32 @p1 $0x1  }
0x15: {  	[smem:$0x3FB5] =	sst s0;
	s0 =	simm.s32 @!p2 $0x0  }
0x16: {  	s3 =	sld [smem:$0x3FDB];
	s0 =	simm.s32 @p2 $0x1  }
0x17: {  	s4 =	simm.s32 $0x1BF5;
	[smem:$0x3FB7] =	sst s0  }
0x18: {  	s0 =	sld [smem:$0x3F9A];
	_ =	swait.ge [sflag:s4], $0x0  }
0x19: {  	s7 =	sld [smem:$0x3F9B]  }
0x1a: {  	s8 =	sadd.s32 $0xFFFFE003, lr  }
0x1b: {  	s9 =	sadd.s32 $0xFFFFFEF7, lr;
	s5 =	simm.s32 $0xFFFFFFFF;
	p2 =	slt.u32 s8, $0xFFFFF086  }
0x1c: {  	p1 =	slt.u32 s9, $0xF7A;
	s5 =	simm.s32 @!p2 $0x0  }
0x1d: {  	s5 =	simm.s32 @p1 $0x1;
	p0 =	seq.s32 s7, s2  }
0x1e: {  	s7 =	smul.u32 @!p0 $0xF7A, s2;
	p2 =	seq.s32 @!p0 s5, $0x0  }
0x1f: {  	s9 =	smul.u32 $0xF7A, s1;
	s8 =	simm.s32 @!p0 $0x1BF5;
	p2 =	por !p2, p0  }
0x20: {  	[sflag:s8] =	ssyncset.s32 @!p0 $0xFFFFF086;
	s6 =	sadd.s32 @!p0 s3, s7;
	s7 =	simm.s32 @!p0 $0x108  }
0x21: {  	s3 =	sadd.s32 s3, s9;
	s6 =	sadd.s32 @!p0 $0x88, s6;
	s7 =	simm.s32 @p2 $0x1082  }
0x22: {  	[simem:s7], [sflag:s8] =	dma.local @!p0 [hbm:s6], $0xF7A  }
0x23: {  	s9 =	sor.u32 $0xD0000000, s2;
	s6 =	simm.s32 $0x108;
	_ =	swait.ge @!p0 [sflag:s8], $0x0  }
0x24: {  	s3 =	sadd.s32 $0x88, s3;
	s6 =	simm.s32 @!p1 $0x1082;
	[sflag:s4] =	ssyncset.s32 $0xFFFFF086  }
0x25: {  	[simem:s6], [sflag:s4] =	dma.local [hbm:s3], $0xF7A  }
0x26: {  	[smem:$0x3F9B] =	sst s1;
	(tag) =	ssettag s2;
	_ =	strace s9  }
0x27: {  	s1 =	sld [smem:$0x3FAB]  }
0x28: {  	s2 =	sld [smem:$0x3FAC]  }
0x29: {  	s4 =	sld [smem:$0x3FAE]  }
0x2a: {  	p0 =	seq.s32 s5, $0x0;
	s5 =	sld [smem:$0x3FAF]  }
0x2b: {  	s6 =	sld [smem:$0x3FB0]  }
0x2c: {  	s7 =	sld [smem:$0x3FB1]  }
0x2d: {  	s3 =	simm.s32 $0x108;
	s8 =	sld [smem:$0x3FB2]  }
0x2e: {  	s3 =	simm.s32 @!p0 $0x1082;
	s9 =	sld [smem:$0x3FB3]  }
0x2f: {  	lr =	sadd.s32 s0, s3;
	s0 =	sld [smem:$0x3FAA]  }
0x30: {  	s3 =	sld [smem:$0x3FAD]  }
0x31: {  	[smem:$0x3FB6] =	sst s10  }
0x32: {  	s10 =	sld [smem:$0x3FB4];
	_ =	sdelay $0x3  }
0x33: {  	p0 =	seq.s32 s10, $0x1;
	s10 =	sld [smem:$0x3FB6];
	_ =	sdelay $0x3  }
0x34: {  	[smem:$0x3FB6] =	sst s10  }
0x35: {  	s10 =	sld [smem:$0x3FB5];
	_ =	sdelay $0x3  }
0x36: {  	p1 =	seq.s32 s10, $0x1;
	s10 =	sld [smem:$0x3FB6];
	_ =	sdelay $0x3  }
0x37: {  	[smem:$0x3FB6] =	sst s10  }
0x38: {  	s10 =	sld [smem:$0x3FB7]  }
0x39: {  	_ = 	snop;
	(pc) =	sbr.ind lr, $3  }
0x3a: {  	_ = 	snop  }
0x3b: {  	_ = 	snop  }
0x3c: {  	p2 =	seq.s32 s10, $0x1;
	s10 =	sld [smem:$0x3FB6]  }
0x3d: {  	_ =	shalt  }
0x3e: {  	_ =	shalt  }
0x3f: {  	_ =	shalt  }
0x40: {  	_ =	shalt  }
0x41: {  	_ =	shalt  }
0x42: {  	_ =	shalt  }
0x43: {  	_ =	shalt  }
0x44: {  	_ =	shalt  }
0x45: {  	_ =	shalt  }
0x46: {  	_ =	shalt  }
0x47: {  	_ =	shalt  }
0x48: {  	_ =	shalt  }
0x49: {  	_ =	shalt  }
0x4a: {  	_ =	shalt  }
0x4b: {  	_ =	shalt  }
0x4c: {  	_ =	shalt  }
0x4d: {  	_ =	shalt  }
0x4e: {  	_ =	shalt  }
0x4f: {  	_ =	shalt  }
0x50: {  	_ =	shalt  }
0x51: {  	_ =	shalt  }
0x52: {  	_ =	shalt  }
0x53: {  	_ =	shalt  }
0x54: {  	_ =	shalt  }
0x55: {  	_ =	shalt  }
0x56: {  	_ =	shalt  }
0x57: {  	_ =	shalt  }
0x58: {  	_ =	shalt  }
0x59: {  	_ =	shalt  }
0x5a: {  	_ =	shalt  }
0x5b: {  	_ =	shalt  }
0x5c: {  	_ =	shalt  }
0x5d: {  	_ =	shalt  }
0x5e: {  	_ =	shalt  }
0x5f: {  	_ =	shalt  }
0x60: {  	_ =	shalt  }
0x61: {  	_ =	shalt  }
0x62: {  	_ =	shalt  }
0x63: {  	_ =	shalt  }
0x64: {  	_ =	shalt  }
0x65: {  	_ =	shalt  }
0x66: {  	_ =	shalt  }
0x67: {  	_ =	shalt  }
0x68: {  	_ =	shalt  }
0x69: {  	_ =	shalt  }
0x6a: {  	_ =	shalt  }
0x6b: {  	_ =	shalt  }
0x6c: {  	_ =	shalt  }
0x6d: {  	_ =	shalt  }
0x6e: {  	_ =	shalt  }
0x6f: {  	_ =	shalt  }
0x70: {  	_ =	shalt  }
0x71: {  	_ =	shalt  }
0x72: {  	_ =	shalt  }
0x73: {  	_ =	shalt  }
0x74: {  	_ =	shalt  }
0x75: {  	_ =	shalt  }
0x76: {  	_ =	shalt  }
0x77: {  	_ =	shalt  }
0x78: {  	_ =	shalt  }
0x79: {  	_ =	shalt  }
0x7a: {  	_ =	shalt  }
0x7b: {  	_ =	shalt  }
0x7c: {  	_ =	shalt  }
0x7d: {  	_ =	shalt  }
0x7e: {  	_ =	shalt  }
0x7f: {  	_ =	shalt  }
0x80: {  	_ =	shalt  }
0x81: {  	_ =	shalt  }
0x82: {  	_ =	shalt  }
0x83: {  	_ =	shalt  }
0x84: {  	_ =	shalt  }
0x85: {  	_ =	shalt  }
0x86: {  	_ =	shalt  }
0x87: {  	_ =	shalt  }
.Lfunc_end0:
.L_simem_size_0:
called_computation_lowered:
.L_overlay_start_0:
0x88: {  	s2 =	sld [smem:$0x3FD9]  }
0x89: {  	s3 =	sld [smem:$0x3FFE];
	_ =	sdelay $0x1  }
0x8a: {  	s1 =	srdreg.scid  }
0x8b: {  	s0 =	sand.u32 $0x1, s1  }
0x8c: {  	s14 =	sshll.u32 s0, $0xA;
	s2 =	sadd.s32 s3, s2  }
0x8d: {  	s2 =	sadd.s32 s2, s14  }
0x8e: {  	[smem:$0x3FC2] =	sst s2  }
0x8f: {  	_ = 	snop  }
0x90: {  	s2 =	sld [smem:$0x3FD0];
	_ =	sdelay $0x2  }
0x91: {  	s15 =	simm.s32 $0xA;
	s4 =	simm.s32 $0x10  }
0x92: {  	[smem:s4], [sflag:s15] =	dma.local [hbm:s2], $0x1  }
0x93: {  	_ =	swait.eq [sflag:s15], $0x1  }
0x94: {  	[sflag:s15] =	ssyncset.done $0x0  }
0x95: {  	s16 =	sld [smem:$0x10];
	[sflag:s15] =	ssyncadd.s32 $0xFFFFFFFF  }
0x96: {  	s17 =	sld [smem:$0x11];
	(tm) =	ssettm $0x1  }
0x97: {  	s18 =	sld [smem:$0x3FFB];
	_ =	sdelay $0x3  }
0x98: {  	_ =	strace s18  }
0x99: {  	s4 =	sld [smem:$0x3FFC];
	_ =	sdelay $0x3  }
0x9a: {  	_ =	strace s4  }
0x9b: {  	s4 =	sld [smem:$0x3FFD];
	_ =	sdelay $0x3  }
0x9c: {  	_ =	strace s4  }
0x9d: {  	_ =	strace $0x8FFFFFFF  }
0x9e: {  	s19 =	sld [smem:$0x3FDB];
	_ =	sdelay $0x1  }
0x9f: {  	s5 =	simm.s32 $_scs_section_size  }
0xa0: {  	s6 =	simm.s32 $_size__tile_overlayer_lowered;
	s7 =	simm.s32 $_tile_overlayer_lowered  }
0xa1: {  	s22 =	simm.s32 $0x1BFF;
	s21 =	sshll.u32 s7, $0x1;
	s4 =	sadd.s32 s5, s19  }
0xa2: {  	s8 =	simm.s32 $0x0;
	s20 =	sshll.u32 s6, $0x1;
	s6 =	sadd.s32 s21, s4  }
0xa3: {  	[timem:s8], [sflag:s22] =	dma.local [hbm:s6], s20  }
0xa4: {  	_ =	swait.ge [sflag:s22], s20  }
0xa5: {  	s5 =	ssub.s32 $0x0, s20;
	[sflag:s22] =	ssyncset.done $0x0  }
0xa6: {  	[sflag:s22] =	ssyncadd.s32 s5;
	_ =	sdelay $0x1  }
0xa7: {  	s23 =	simm.s32 $0x1B8B  }
0xa8: {  	_ =	swait.ge [sflag:s23], $0x1  }
0xa9: {  	[sflag:s23] =	ssyncset.done $0x0  }
0xaa: {  	s25 =	simm.s32 $0x1B8E;
	s24 =	sld [smem:$0x3FFE];
	[sflag:s23] =	ssyncadd.s32 $0xFFFFFFFF  }
0xab: {  	s26 =	simm.s32 $execute0_lowered;
	[smem:$0x3FD2] =	sst s25  }
0xac: {  	s6 =	sshll.u32 s26, $0x1;
	_ =	strace $0x80000046;
	[dreg:$0x1] =	wrdreg $0xFFFFFFFF  }
0xad: {  	s28 =	simm.s32 $_size_execute0_lowered;
	s4 =	sadd.s32 s4, s6;
	[dreg:$0x0] =	wrdreg $0x0  }
0xae: {  	s6 =	sshll.u32 s28, $0x1;
	[dreg:$0x2] =	wrdreg s4  }
0xaf: {  	[dreg:$0x3] =	wrdreg s6  }
0xb0: {  	[dreg:$0x4] =	wrdreg $0xC0  }
0xb1: {  	_ =	task [dreg:s8], $0x5FFFF  }
0xb2: {  	[dreg:$0x1] =	wrdreg $0xFFFFFFFF  }
0xb3: {  	[dreg:$0x0] =	wrdreg $0x60  }
0xb4: {  	[dreg:$0x2] =	wrdreg s17  }
0xb5: {  	[dreg:$0x3] =	wrdreg s24  }
0xb6: {  	[dreg:$0x4] =	wrdreg s16  }
0xb7: {  	[dreg:$0x5] =	wrdreg $0x76800  }
0xb8: {  	[dreg:$0x6] =	wrdreg $0x9  }
0xb9: {  	_ =	task.clear_ibuf [dreg:s8], $0x7FFFF;
	_ =	strace $0x90000046  }
0xba: {  	s29 =	simm.s32 $0x9;
	_ =	strace $0x80000048  }
0xbb: {  	_ =	swait.ge [sflag:s29], $0x1  }
0xbc: {  	[sflag:s29] =	ssyncadd.s32 $0xFFFFFFFF  }
0xbd: {  	_ =	strace $0x90000048  }
0xbe: {  	_ =	sfence  }
0xbf: {  	s30 =	sld [smem:$0x0];
	_ =	sdelay $0x2  }
0xc0: {  	s31 =	sshll.u32 s1, $0xD;
	s1 =	sshrl.u32 s1, $0x2  }
0xc1: {  	s3 =	sand.u32 $0x4000, s31;
	s1 =	sadd.s32 s1, s30  }
0xc2: {  	s0 =	sor.u32 s3, s0;
	s1 =	sshll.u32 s1, $0x11  }
0xc3: {  	s0 =	sor.u32 s1, s0  }
0xc4: {  	s0 =	sadd.s32 $0x8F2B, s0  }
0xc5: {  	[sflag:s0] =	ssyncadd.remote.s32 $0x1  }
0xc6: {  	_ =	sfence.sel $0xFFFF  }
0xc7: {  	[dreg:$0x0] =	wrdreg $0xFFFFFFFF;
	(pc) =	sbr.abs _section_cstart, $3  }
0xc8: {  	[dreg:$0x1] =	wrdreg $0xFFFFFFFF  }
0xc9: {  	_ =	task.clear_ibuf [dreg:s8], $0x2FFFF;
	_ =	strace $0x9FFFFFFF  }
0xca: {  	(tm) =	ssettm $0x7FFFFFFF  }
0xcb: {  	_ =	shalt  }
tec
execute0_lowered:
.L_overlay_start_1:
0x0: {  	(tag) =	ssettag $0x1  }
0x1: {  	s6 =	rddreg [dreg:$0x0]  }
0x2: {  	s4 =	rddreg [dreg:$0x1]  }
0x3: {  	s7 =	rddreg [dreg:$0x2]  }
0x4: {  	s2 =	rddreg [dreg:$0x3]  }
0x5: {  	s0 =	rddreg [dreg:$0x4];
	s3 =	simm.s32 $0x0  }
0x6: {  	s1 =	stileid.u32;
	s8 =	srdreg.scid;
	s12 =	simm.s32 $0x1400  }
0x7: {  	[smem:$0x7FF] =	sst s3;
	s5 =	smul.u32 $0x61A8, s1;
	s8 =	sand.u32 $0x1, s8  }
0x8: {  	s13 =	simm.s32 $0x0;
	_ =	strace $0x80000047;
	s10 =	sshll.u32 s8, $0x4  }
0x9: {  	s11 =	smul.u32 $0x61A80, s8;
	s8 =	ssub.s32 $0x2, s8;
	s9 =	sshrl.u32 s5, $0x3  }
0xa: {  	s29 =	sor.u32 s1, s10;
	s30 =	sshrl.u32 s8, $0x1;
	s10 =	simm.s32 $0x1  }
0xb: {  	s4 =	sadd.s32 s9, s4;
	s9 =	smul.u32 $0x280, s29;
	s11 =	sadd.s32 s5, s11  }
0xc: {  	s8 =	ssub.s32 s8, s30;
	s5 =	sadd.s32 s5, s2;
	s4 =	sadd.s32 $0x800, s4  }
0xd: {  	s31 =	sshrl.u32 s11, $0x3;
	s8 =	smax.u32 s8, $0x1;
	s11 =	simm.s32 $0x80  }
0xe: {  	v0 =	vimm.s32 $0x1;
	s6 =	sadd.s32 s6, s9;
	s7 =	sadd.s32 s7, s31;
	s9 =	simm.s32 $0x1480  }
.LBB2_1:
0xf: {  	[tilespmem:$0x1400] =	vst v0  }
0x10: {  	[tilespmem:$0x1410] =	vst v0  }
0x11: {  	[tilespmem:$0x1420] =	vst v0  }
0x12: {  	[tilespmem:$0x1430] =	vst v0  }
0x13: {  	[tilespmem:$0x1440] =	vst v0  }
0x14: {  	[tilespmem:$0x1450] =	vst v0  }
0x15: {  	[tilespmem:$0x1460] =	vst v0  }
0x16: {  	[tilespmem:$0x1470] =	vst v0  }
0x17: {  	[tilespmem:s9], [sflag:$0x1] =	stream.linear.gather [hbm4b:s4+s3], $0x61A8, $0x38;
	[tilespmem:$0xD828] =	vst v63  }
0x18: {  	_ =	swait.ge [sflag:s10], $0x61A8  }
0x19: {  	[sflag:s10] =	ssyncset.done $0x0  }
0x1a: {  	[sflag:s10] =	ssyncadd.s32 $0xFFFF9E58  }
0x1b: {  	[spmem:s5] =	stream.linear.scatter [tilespmem:s9], [sflag:$0x1], $0x61A8, $0x38;
	[tilespmem:$0xD828] =	vst v63  }
0x1c: {  	_ =	swait.ge [sflag:s10], $0x61A8  }
0x1d: {  	[sflag:s10] =	ssyncset.done $0x0  }
0x1e: {  	[sflag:s10] =	ssyncadd.s32 $0xFFFF9E58  }
0x1f: {  	[tilespmem:s3], [sflag:$0x1] =	stream.linear.gather [hbm4b:s6+s3], $0x1400, $0x38;
	[tilespmem:$0xD828] =	vst v63  }
0x20: {  	_ =	swait.ge [sflag:s10], $0x1400  }
0x21: {  	[sflag:s10] =	ssyncset.done $0x0  }
0x22: {  	[sflag:s10] =	ssyncadd.s32 $0xFFFFEC00  }
0x23: {  	s14 =	simm.s32 $0x0;
	[bflag:$0x0] =	sbarrier.arrive $0xFFFF  }
0x24: {  	[spmem:s2] =	stream.indirect.scatter.add.s32 [tilespmem:s12], [sflag:$0x1], $0x1, s14, s11, $0xb8;
	[tilespmem:$0xD828] =	vst v63  }
0x25: {  	_ =	swait.ge [sflag:s10], $0x80  }
0x26: {  	s14 =	simm.s32 $0x200;
	[sflag:s10] =	ssyncset.done $0x0  }
.LBB2_2:
0x27: {  	s15 =	sshra.s32 s14, $0x2;
	[sflag:s10] =	ssyncadd.s32 $0xFFFFFF80;
	p0 =	sne.s32 s14, $0x4E00  }
0x28: {  	[spmem:s2] =	stream.indirect.scatter.add.s32 [tilespmem:s12], [sflag:$0x1], $0x1, s15, s11, $0xb8;
	[tilespmem:$0xD828] =	vst v63  }
.Ltmp0:
0x29: {  	_ = 	snop;
	(pc) =	sbr.rel @p0 .LBB2_2-.Ltmp0, $4  }
0x2a: {  	_ = 	snop  }
0x2b: {  	s14 =	sadd.s32 $0x200, s14  }
0x2c: {  	_ =	swait.ge [sflag:s10], $0x80  }
0x2d: {  	[sflag:s10] =	ssyncset.done $0x0  }
0x2e: {  	[sflag:s10] =	ssyncadd.s32 $0xFFFFFF80  }
0x2f: {  	[bflag:$0x0] =	sbarrier.arrive $0xFFFF  }
0x30: {  	[tilespmem:s9], [sflag:$0x1] =	stream.linear.gather [spmem:s5], $0x61A8, $0x38;
	[tilespmem:$0xD828] =	vst v63  }
0x31: {  	s13 =	sadd.s32 $0x1, s13;
	_ =	swait.ge [sflag:s10], $0x61A8  }
0x32: {  	p0 =	sne.s32 s13, s8;
	[sflag:s10] =	ssyncset.done $0x0  }
.Ltmp1:
0x33: {  	[sflag:s10] =	ssyncadd.s32 $0xFFFF9E58;
	(pc) =	sbr.rel @p0 .LBB2_1-.Ltmp1, $4  }
0x34: {  	[hbm4b:s7+s3] =	stream.linear.scatter [tilespmem:s9], [sflag:$0x1], $0x61A8, $0x38;
	[tilespmem:$0xD828] =	vst v63  }
0x35: {  	_ =	swait.ge [sflag:s10], $0x61A8  }
0x36: {  	[sflag:s10] =	ssyncset.done $0x0  }
0x37: {  	[sflag:s10] =	ssyncadd.s32 $0xFFFF9E58  }
0x38: {  	_ =	sfence.sel $0x180000  }
0x39: {  	[bflag:$0x0] =	sbarrier.arrive $0xFFFF  }
0x3a: {  	p0 =	sne.s32 s1, $0x0;
	_ =	strace $0x90000047  }
0x3b: {  	s0 =	sadd.s32 @!p0 $0x100000, s0;
	[bflag:$0x2] =	sbarrier.arrive $0xFFFF  }
0x3c: {  	[sflag:s0] =	ssyncadd.tile.s32 @!p0 $0x1;
	_ =	shalt  }
.Lfunc_end2:
_tile_overlayer_lowered:
.L_overlay_start_2:
0x3d: {  	(tag) =	ssettag $0x2  }
0x3e: {  	s0 =	rddreg [dreg:$0x0];
	s2 =	stileid.u32  }
0x3f: {  	s1 =	rddreg [dreg:$0x1];
	p0 =	sne.s32 s2, $0x0  }
0x40: {  	s3 =	rddreg [dreg:$0x2];
	[bflag:$0x3] =	sbarrier.arrive $0xFFFF;
	s2 =	simm.s32 @!p0 $0x1C01  }
0x41: {  	[timem:s3], [sflag:s2] =	dma.local @!p0 [hbm:s0], s1  }
0x42: {  	s0 =	simm.s32 @!p0 $0x1  }
0x43: {  	_ =	swait.ge @!p0 [sflag:s0], s1  }
0x44: {  	s1 =	ssub.s32 @!p0 $0x0, s1;
	[sflag:s0] =	ssyncset.done @!p0 $0x0  }
0x45: {  	[sflag:s0] =	ssyncadd.s32 @!p0 s1  }
0x46: {  	[bflag:$0x3] =	sbarrier.arrive $0xFFFF  }
0x47: {  	_ =	shalt  }

</sc_bundles>
